<compile_context>
chip_gen: v7x
topology: tpu7x:2x2x1
jax: 0.10.2.dev20260603
libtpu: 0.0.44.dev20260713+nightly
codegen_flags: <defaults>
</compile_context>

<pallas_src>
import functools

import jax
import jax.numpy as jnp
from jax import lax
from jax.experimental import pallas as pl
from jax.experimental.pallas import tpu as pltpu
from jax.experimental.pallas import tpu_sc as plsc

_N_E = 8192
_D = 256
_ROWS = 4608
_BLK = 256
_NBLK = _ROWS // _BLK
_CLIP = 1.0 + 1e-7
_BETA = 0.25

_NC = 2
_NS = 16
_NW = _NC * _NS
_BPW = _ROWS // _NW
_NG = _BPW // 16
_DP = 384


def _tc_body(x_ref, w_ref, wt_ref, idx_ref, em_ref):
    i = pl.program_id(0)

    @pl.when(i == 0)
    def _init():
        em_ref[...] = jnp.zeros_like(em_ref)

    lanes = lax.broadcasted_iota(jnp.int32, (_BLK, _D + 1), 1)
    xm = jnp.where(lanes == 0, 0.0, x_ref[...])
    dot = lax.dot_general(
        xm, w_ref[...], (((1,), (1,)), ((), ())),
        preferred_element_type=jnp.float32)
    xt = x_ref[:, 0:1]
    z = xt * wt_ref[...] - dot
    z = jnp.maximum(z, _CLIP)
    _H = _N_E // 2
    z_lo, z_hi = z[:, :_H], z[:, _H:]
    zmin_lo = jnp.min(z_lo, axis=1, keepdims=True)
    zmin_hi = jnp.min(z_hi, axis=1, keepdims=True)
    hidx = lax.broadcasted_iota(jnp.int32, (_BLK, _H), 1)
    cand_lo = jnp.min(jnp.where(z_lo == zmin_lo, hidx, _N_E), axis=1,
                      keepdims=True)
    cand_hi = jnp.min(jnp.where(z_hi == zmin_hi, hidx + _H, _N_E), axis=1,
                      keepdims=True)
    idxk = jnp.where(zmin_hi <= zmin_lo, cand_hi, cand_lo)
    idx_ref[0] = idxk
    jidx = lax.broadcasted_iota(jnp.int32, (_BLK, _N_E), 1)
    em_ref[...] += jnp.sum((jidx == idxk).astype(jnp.float32), axis=0,
                           keepdims=True)


def _tc_pass(flat, weight, wt):
    return pl.pallas_call(
        _tc_body,
        grid=(_NBLK,),
        in_specs=[
            pl.BlockSpec((_BLK, _D + 1), lambda i: (i, 0)),
            pl.BlockSpec((_N_E, _D + 1), lambda i: (0, 0)),
            pl.BlockSpec((1, _N_E), lambda i: (0, 0)),
        ],
        out_specs=[
            pl.BlockSpec((1, _BLK, 1), lambda i: (i, 0, 0)),
            pl.BlockSpec((1, _N_E), lambda i: (0, 0)),
        ],
        out_shape=[
            jax.ShapeDtypeStruct((_NBLK, _BLK, 1), jnp.int32),
            jax.ShapeDtypeStruct((1, _N_E), jnp.float32),
        ],
    )(flat, weight, wt)


def _loss_body(x_ref, q_ref, cnt_ref, em_ref, sc_ref):
    x = x_ref[...]
    q = q_ref[...]
    t = x[:, 0:1] * q[:, 0:1]
    s = jnp.sum(x * q, axis=1, keepdims=True)
    z = jnp.maximum(2.0 * t - s, _CLIP)
    d = jnp.log(z + jnp.sqrt((z - 1.0) * (z + 1.0)))
    loss = jnp.sum(d) * ((1.0 + _BETA) / _ROWS)
    e = cnt_ref[...] * (1.0 / _ROWS)
    em_ref[...] = e
    ent = -jnp.sum(e * jnp.log(e + 1e-10))
    lossv = jnp.broadcast_to(loss, (1, 128))
    entv = jnp.broadcast_to(ent, (1, 128))
    pplv = jnp.exp(entv)
    lane = lax.broadcasted_iota(jnp.int32, (1, 128), 1)
    sc_ref[...] = jnp.where(lane == 0, lossv,
                            jnp.where(lane == 1, entv,
                                      jnp.where(lane == 2, pplv, 0.0)))


def _loss_pass(flat, zq, cnt):
    return pl.pallas_call(
        _loss_body,
        in_specs=[
            pl.BlockSpec((_ROWS, _D + 1), lambda: (0, 0)),
            pl.BlockSpec((_ROWS, _D + 1), lambda: (0, 0)),
            pl.BlockSpec((1, _N_E), lambda: (0, 0)),
        ],
        out_specs=[
            pl.BlockSpec((1, _N_E), lambda: (0, 0)),
            pl.BlockSpec((1, 128), lambda: (0, 0)),
        ],
        out_shape=[
            jax.ShapeDtypeStruct((1, _N_E), jnp.float32),
            jax.ShapeDtypeStruct((1, 128), jnp.float32),
        ],
    )(flat, zq, cnt)


def _sc_gather(table, idx):
    mesh = plsc.VectorSubcoreMesh(core_axis_name="c", subcore_axis_name="s")

    @functools.partial(
        pl.kernel, mesh=mesh,
        out_type=jax.ShapeDtypeStruct((_ROWS, _DP), jnp.float32),
        scratch_types=[
            pltpu.VMEM((_BPW,), jnp.int32),
            pltpu.VMEM((_BPW, _DP), jnp.float32),
            pltpu.SemaphoreType.DMA,
        ],
    )
    def k(table_hbm, idx_hbm, out_hbm, idx_v, rows_v, sem):
        wid = lax.axis_index("s") * _NC + lax.axis_index("c")
        base = wid * _BPW
        pltpu.sync_copy(idx_hbm.at[pl.ds(base, _BPW)], idx_v)
        ch = _BPW // 3
        cps = [pltpu.async_copy(table_hbm.at[idx_v.at[pl.ds(j * ch, ch)]],
                                rows_v.at[pl.ds(j * ch, ch)], sem)
               for j in range(3)]
        for cp in cps:
            cp.wait()
        pltpu.sync_copy(rows_v, out_hbm.at[pl.ds(base, _BPW)])

    return k(table, idx)


def kernel(u_hyp, weight):
    flat = u_hyp.reshape(_ROWS, _D + 1)
    wt = weight[:, 0].reshape(1, _N_E)
    idx3, cnt = _tc_pass(flat, weight, wt)
    idx = idx3.reshape(_ROWS)
    wpad = jnp.pad(weight, ((0, 0), (0, _DP - (_D + 1))))
    zq_flat = _sc_gather(wpad, idx)[:, : _D + 1]
    z_q = zq_flat.reshape(u_hyp.shape)
    em, scal = _loss_pass(flat, zq_flat, cnt)
    loss = scal[0, 0]
    diversity_loss = scal[0, 1]
    perplexity = scal[0, 2]
    codebook_usage = em.reshape(_N_E)
    return (loss, z_q, perplexity, diversity_loss, codebook_usage)

# --- scband reference (transcript-rebuilt; emitter-appended) ---
"""Pipeline reference for scband-standard-hyperbolic-quantizer-74569222193360 (READ-ONLY COPY).

The authoritative reference and input builder live on the scoring server;
editing this copy changes nothing except your own understanding.
"""

import jax, jax.numpy as jnp
import numpy as np

N_E = 8192
E_DIM = 256
BETA = 0.25
C = 1.0
B, H, W = 8, 24, 24


def _projx(x):
    # Lorentz projection: recompute time component from spatial part
    space = x[..., 1:]
    time = jnp.sqrt(1.0 / C + jnp.sum(space * space, axis=-1, keepdims=True))
    return jnp.concatenate([time, space], axis=-1)


def _lorentz_dist_rows(x, y):
    # elementwise hyperbolic distance between corresponding rows (c=1 convention)
    inner = -x[..., 0] * y[..., 0] + jnp.sum(x[..., 1:] * y[..., 1:], axis=-1)
    z = jnp.clip(-inner * C, 1.0 + 1e-7, None)
    return jnp.arccosh(z) / jnp.sqrt(C)


def setup_inputs(seed: int = 0) -> dict:
    key = jax.random.key(seed)
    k1, k2, k3 = jax.random.split(key, 3)
    u_hyp = jax.random.normal(k1, (B, H, W, E_DIM + 1), dtype=jnp.float32)
    # codebook initialized on the manifold, as in _initialize_codebook_on_manifold
    radii = jax.random.uniform(k2, (N_E, 1), dtype=jnp.float32) * 5.0 + 1.0
    time = jnp.cosh(radii)
    dirs = jax.random.normal(k3, (N_E, E_DIM), dtype=jnp.float32)
    dirs = dirs / jnp.clip(jnp.linalg.norm(dirs, axis=-1, keepdims=True), 1e-12, None)
    mag = jnp.sqrt(jnp.clip(time * time - 1.0, 1e-7, None))
    vecs = jnp.concatenate([time, dirs * mag], axis=-1)
    weight = _projx(vecs)
    return {"u_hyp": u_hyp, "weight": weight}


def reference(u_hyp, weight):
    u_shape = u_hyp.shape
    flat = u_hyp.reshape(-1, E_DIM + 1)
    # pairwise Lorentz inner products: -t_u t_w^T + s_u @ s_w^T
    inner = -jnp.outer(flat[:, 0], weight[:, 0]) + flat[:, 1:] @ weight[:, 1:].T
    dists = jnp.arccosh(jnp.clip(-inner * C, 1.0 + 1e-7, None)) / jnp.sqrt(C)
    min_indices = jnp.argmin(dists, axis=-1)
    x_q_flat = jnp.take(weight, min_indices, axis=0)
    codebook_loss = jnp.mean(_lorentz_dist_rows(jax.lax.stop_gradient(flat), x_q_flat))
    commitment_loss = jnp.mean(_lorentz_dist_rows(flat, jax.lax.stop_gradient(x_q_flat)))
    loss = codebook_loss + BETA * commitment_loss
    z_q_flat = flat + jax.lax.stop_gradient(x_q_flat - flat)
    z_q = z_q_flat.reshape(u_shape)
    e_mean = jnp.mean(jax.nn.one_hot(min_indices, N_E, dtype=jnp.float32), axis=0)
    entropy = -jnp.sum(e_mean * jnp.log(e_mean + 1e-10))
    perplexity = jnp.exp(entropy)
    diversity_loss = entropy
    codebook_usage = e_mean
    return (loss, z_q, perplexity, diversity_loss, codebook_usage)

if __name__ == "__main__":
    import jax
    _d = setup_inputs()
    print(jax.jit(kernel)(*tuple(_d.values())))

</pallas_src>

<mosaic_0001>
#map = affine_map<(d0, d1) -> (0, 0)>
#map1 = affine_map<(d0, d1) -> (0)>
module attributes {stable_mosaic.version = 14 : i64} {
  func.func @k(%arg0: i32, %arg1: i32, %arg2: memref<8192x384xf32, #tpu.memory_space<hbm>>, %arg3: memref<4608xi32, #tpu.memory_space<hbm>>, %arg4: memref<4608x384xf32, #tpu.memory_space<hbm>>, %arg5: memref<144xi32, #tpu.memory_space<vmem>>, %arg6: memref<144x384xf32, #tpu.memory_space<vmem>>, %arg7: memref<!tpu.dma_semaphore, #tpu.memory_space<semaphore_mem>>) attributes {dimension_semantics = [#tpu.dimension_semantics<core_parallel>, #tpu.dimension_semantics<subcore_parallel>], iteration_bounds = array<i64: 2, 16>, scalar_prefetch = 0 : i64, scratch_operands = 3 : i64, tpu.core_type = #tpu.core_type<sc_vector_subcore>, window_params = [{transform_indices = #map}, {transform_indices = #map1}, {transform_indices = #map}]} {
    %mul3A = arith.constant 2 : i32
    %mul3A_0 = arith.muli %arg1, %mul3A : i32
    %add3A = arith.addi %mul3A_0, %arg0 : i32
    %mul3A_1 = arith.constant 144 : i32
    %mul3A_2 = arith.muli %add3A, %mul3A_1 : i32
    "tpu.region"() ({
      %run_scoped3A = tpu.sem_alloc : memref<!tpu.dma_semaphore, #tpu.memory_space<semaphore_mem>>
      %dma_start3A_49 = tpu.memref_slice %arg3[%mul3A_2] : memref<4608xi32, #tpu.memory_space<hbm>> -> memref<144xi32, #tpu.memory_space<hbm>>
      %dma_start3A_50 = tpu.memref_slice %arg3[%mul3A_2] : memref<4608xi32, #tpu.memory_space<hbm>> -> memref<144xi32, #tpu.memory_space<hbm>>
      tpu.enqueue_dma source(%dma_start3A_50 : memref<144xi32, #tpu.memory_space<hbm>>) target(%arg5 : memref<144xi32, #tpu.memory_space<vmem>>) target_semaphore(%run_scoped3A : memref<!tpu.dma_semaphore, #tpu.memory_space<semaphore_mem>>)
      %dma_wait3A_51 = tpu.memref_slice %arg3[%mul3A_2] : memref<4608xi32, #tpu.memory_space<hbm>> -> memref<144xi32, #tpu.memory_space<hbm>>
      %dma_wait3A_52 = tpu.memref_slice %arg3[%mul3A_2] : memref<4608xi32, #tpu.memory_space<hbm>> -> memref<144xi32, #tpu.memory_space<hbm>>
      tpu.wait_dma2 semaphore(%run_scoped3A : memref<!tpu.dma_semaphore, #tpu.memory_space<semaphore_mem>>) src(%dma_wait3A_52 : memref<144xi32, #tpu.memory_space<hbm>>) dst(%arg5 : memref<144xi32, #tpu.memory_space<vmem>>)
      tpu.yield
    }) : () -> ()
    %dma_start3A = arith.constant 0 : i32
    %dma_start3A_3 = arith.constant 0 : i32
    %dma_start3A_4 = tpu.memref_slice %arg6[%dma_start3A, %dma_start3A_3] : memref<144x384xf32, #tpu.memory_space<vmem>> -> memref<48x384xf32, #tpu.memory_space<vmem>>
    %dma_start3A_5 = arith.constant 0 : i32
    %dma_start3A_6 = tpu.memref_slice %arg5[%dma_start3A_5] : memref<144xi32, #tpu.memory_space<vmem>> -> memref<48xi32, #tpu.memory_space<vmem>>
    %dma_start3A_7 = arith.constant 0 : i32
    %dma_start3A_8 = arith.constant 0 : i32
    %dma_start3A_9 = tpu.memref_slice %arg2[%dma_start3A_7, %dma_start3A_8] : memref<8192x384xf32, #tpu.memory_space<hbm>> -> memref<8192x384xf32, #tpu.memory_space<hbm>>
    tpu.enqueue_indirect_dma source(%dma_start3A_9 : memref<8192x384xf32, #tpu.memory_space<hbm>>) target(%dma_start3A_4 : memref<48x384xf32, #tpu.memory_space<vmem>>) offsets(%dma_start3A_6 : memref<48xi32, #tpu.memory_space<vmem>>) semaphore(%arg7 : memref<!tpu.dma_semaphore, #tpu.memory_space<semaphore_mem>>)
    %dma_start3A_10 = arith.constant 48 : i32
    %dma_start3A_11 = arith.constant 0 : i32
    %dma_start3A_12 = tpu.memref_slice %arg6[%dma_start3A_10, %dma_start3A_11] : memref<144x384xf32, #tpu.memory_space<vmem>> -> memref<48x384xf32, #tpu.memory_space<vmem>>
    %dma_start3A_13 = arith.constant 48 : i32
    %dma_start3A_14 = tpu.memref_slice %arg5[%dma_start3A_13] : memref<144xi32, #tpu.memory_space<vmem>> -> memref<48xi32, #tpu.memory_space<vmem>>
    %dma_start3A_15 = arith.constant 0 : i32
    %dma_start3A_16 = arith.constant 0 : i32
    %dma_start3A_17 = tpu.memref_slice %arg2[%dma_start3A_15, %dma_start3A_16] : memref<8192x384xf32, #tpu.memory_space<hbm>> -> memref<8192x384xf32, #tpu.memory_space<hbm>>
    tpu.enqueue_indirect_dma source(%dma_start3A_17 : memref<8192x384xf32, #tpu.memory_space<hbm>>) target(%dma_start3A_12 : memref<48x384xf32, #tpu.memory_space<vmem>>) offsets(%dma_start3A_14 : memref<48xi32, #tpu.memory_space<vmem>>) semaphore(%arg7 : memref<!tpu.dma_semaphore, #tpu.memory_space<semaphore_mem>>)
    %dma_start3A_18 = arith.constant 96 : i32
    %dma_start3A_19 = arith.constant 0 : i32
    %dma_start3A_20 = tpu.memref_slice %arg6[%dma_start3A_18, %dma_start3A_19] : memref<144x384xf32, #tpu.memory_space<vmem>> -> memref<48x384xf32, #tpu.memory_space<vmem>>
    %dma_start3A_21 = arith.constant 96 : i32
    %dma_start3A_22 = tpu.memref_slice %arg5[%dma_start3A_21] : memref<144xi32, #tpu.memory_space<vmem>> -> memref<48xi32, #tpu.memory_space<vmem>>
    %dma_start3A_23 = arith.constant 0 : i32
    %dma_start3A_24 = arith.constant 0 : i32
    %dma_start3A_25 = tpu.memref_slice %arg2[%dma_start3A_23, %dma_start3A_24] : memref<8192x384xf32, #tpu.memory_space<hbm>> -> memref<8192x384xf32, #tpu.memory_space<hbm>>
    tpu.enqueue_indirect_dma source(%dma_start3A_25 : memref<8192x384xf32, #tpu.memory_space<hbm>>) target(%dma_start3A_20 : memref<48x384xf32, #tpu.memory_space<vmem>>) offsets(%dma_start3A_22 : memref<48xi32, #tpu.memory_space<vmem>>) semaphore(%arg7 : memref<!tpu.dma_semaphore, #tpu.memory_space<semaphore_mem>>)
    %dma_wait3A = arith.constant 0 : i32
    %dma_wait3A_26 = arith.constant 0 : i32
    %dma_wait3A_27 = tpu.memref_slice %arg6[%dma_wait3A, %dma_wait3A_26] : memref<144x384xf32, #tpu.memory_space<vmem>> -> memref<48x384xf32, #tpu.memory_space<vmem>>
    %dma_wait3A_28 = arith.constant 0 : i32
    %dma_wait3A_29 = tpu.memref_slice %arg5[%dma_wait3A_28] : memref<144xi32, #tpu.memory_space<vmem>> -> memref<48xi32, #tpu.memory_space<vmem>>
    %dma_wait3A_30 = arith.constant 0 : i32
    %dma_wait3A_31 = arith.constant 0 : i32
    %dma_wait3A_32 = tpu.memref_slice %arg2[%dma_wait3A_30, %dma_wait3A_31] : memref<8192x384xf32, #tpu.memory_space<hbm>> -> memref<8192x384xf32, #tpu.memory_space<hbm>>
    tpu.wait_indirect_dma semaphore(%arg7 : memref<!tpu.dma_semaphore, #tpu.memory_space<semaphore_mem>>) src(%dma_wait3A_32 : memref<8192x384xf32, #tpu.memory_space<hbm>>) dst(%dma_wait3A_27 : memref<48x384xf32, #tpu.memory_space<vmem>>)
    %dma_wait3A_33 = arith.constant 48 : i32
    %dma_wait3A_34 = arith.constant 0 : i32
    %dma_wait3A_35 = tpu.memref_slice %arg6[%dma_wait3A_33, %dma_wait3A_34] : memref<144x384xf32, #tpu.memory_space<vmem>> -> memref<48x384xf32, #tpu.memory_space<vmem>>
    %dma_wait3A_36 = arith.constant 48 : i32
    %dma_wait3A_37 = tpu.memref_slice %arg5[%dma_wait3A_36] : memref<144xi32, #tpu.memory_space<vmem>> -> memref<48xi32, #tpu.memory_space<vmem>>
    %dma_wait3A_38 = arith.constant 0 : i32
    %dma_wait3A_39 = arith.constant 0 : i32
    %dma_wait3A_40 = tpu.memref_slice %arg2[%dma_wait3A_38, %dma_wait3A_39] : memref<8192x384xf32, #tpu.memory_space<hbm>> -> memref<8192x384xf32, #tpu.memory_space<hbm>>
    tpu.wait_indirect_dma semaphore(%arg7 : memref<!tpu.dma_semaphore, #tpu.memory_space<semaphore_mem>>) src(%dma_wait3A_40 : memref<8192x384xf32, #tpu.memory_space<hbm>>) dst(%dma_wait3A_35 : memref<48x384xf32, #tpu.memory_space<vmem>>)
    %dma_wait3A_41 = arith.constant 96 : i32
    %dma_wait3A_42 = arith.constant 0 : i32
    %dma_wait3A_43 = tpu.memref_slice %arg6[%dma_wait3A_41, %dma_wait3A_42] : memref<144x384xf32, #tpu.memory_space<vmem>> -> memref<48x384xf32, #tpu.memory_space<vmem>>
    %dma_wait3A_44 = arith.constant 96 : i32
    %dma_wait3A_45 = tpu.memref_slice %arg5[%dma_wait3A_44] : memref<144xi32, #tpu.memory_space<vmem>> -> memref<48xi32, #tpu.memory_space<vmem>>
    %dma_wait3A_46 = arith.constant 0 : i32
    %dma_wait3A_47 = arith.constant 0 : i32
    %dma_wait3A_48 = tpu.memref_slice %arg2[%dma_wait3A_46, %dma_wait3A_47] : memref<8192x384xf32, #tpu.memory_space<hbm>> -> memref<8192x384xf32, #tpu.memory_space<hbm>>
    tpu.wait_indirect_dma semaphore(%arg7 : memref<!tpu.dma_semaphore, #tpu.memory_space<semaphore_mem>>) src(%dma_wait3A_48 : memref<8192x384xf32, #tpu.memory_space<hbm>>) dst(%dma_wait3A_43 : memref<48x384xf32, #tpu.memory_space<vmem>>)
    "tpu.region"() ({
      %run_scoped3A = tpu.sem_alloc : memref<!tpu.dma_semaphore, #tpu.memory_space<semaphore_mem>>
      %dma_start3A_49 = arith.constant 0 : i32
      %dma_start3A_50 = tpu.memref_slice %arg4[%mul3A_2, %dma_start3A_49] : memref<4608x384xf32, #tpu.memory_space<hbm>> -> memref<144x384xf32, #tpu.memory_space<hbm>>
      %dma_start3A_51 = arith.constant 0 : i32
      %dma_start3A_52 = tpu.memref_slice %arg4[%mul3A_2, %dma_start3A_51] : memref<4608x384xf32, #tpu.memory_space<hbm>> -> memref<144x384xf32, #tpu.memory_space<hbm>>
      tpu.enqueue_dma source(%arg6 : memref<144x384xf32, #tpu.memory_space<vmem>>) target(%dma_start3A_52 : memref<144x384xf32, #tpu.memory_space<hbm>>) target_semaphore(%run_scoped3A : memref<!tpu.dma_semaphore, #tpu.memory_space<semaphore_mem>>)
      %dma_wait3A_53 = arith.constant 0 : i32
      %dma_wait3A_54 = tpu.memref_slice %arg4[%mul3A_2, %dma_wait3A_53] : memref<4608x384xf32, #tpu.memory_space<hbm>> -> memref<144x384xf32, #tpu.memory_space<hbm>>
      %dma_wait3A_55 = arith.constant 0 : i32
      %dma_wait3A_56 = tpu.memref_slice %arg4[%mul3A_2, %dma_wait3A_55] : memref<4608x384xf32, #tpu.memory_space<hbm>> -> memref<144x384xf32, #tpu.memory_space<hbm>>
      tpu.wait_dma2 semaphore(%run_scoped3A : memref<!tpu.dma_semaphore, #tpu.memory_space<semaphore_mem>>) src(%arg6 : memref<144x384xf32, #tpu.memory_space<vmem>>) dst(%dma_wait3A_56 : memref<144x384xf32, #tpu.memory_space<hbm>>)
      tpu.yield
    }) : () -> ()
    return
  }
}

module attributes {stable_mosaic.version = 14 : i64} {
  func.func @_tc_body(%arg0: i32, %arg1: memref<256x257xf32, #tpu.memory_space<vmem>>, %arg2: memref<8192x257xf32, #tpu.memory_space<vmem>>, %arg3: memref<1x8192xf32, #tpu.memory_space<vmem>>, %arg4: memref<1x256x1xi32, #tpu.memory_space<vmem>>, %arg5: memref<1x8192xf32, #tpu.memory_space<vmem>>) attributes {dimension_semantics = [#tpu.dimension_semantics<arbitrary>], iteration_bounds = array<i64: 18>, scalar_prefetch = 0 : i64, scratch_operands = 0 : i64, tpu.core_type = #tpu.core_type<tc>, window_params = [{transform_indices = @transform_0, window_bounds = array<i64: 256, 257>}, {pipeline_mode = #tpu.pipeline_mode<synchronous>, transform_indices = @transform_1, window_bounds = array<i64: 8192, 257>}, {pipeline_mode = #tpu.pipeline_mode<synchronous>, transform_indices = @transform_2, window_bounds = array<i64: 1, 8192>}, {transform_indices = @transform_3, window_bounds = array<i64: 1, 256, 1>}, {pipeline_mode = #tpu.pipeline_mode<synchronous>, transform_indices = @transform_4, window_bounds = array<i64: 1, 8192>}]} {
    %eq3A = arith.constant 0 : i32
    %eq3A_0 = arith.cmpi eq, %arg0, %eq3A : i32
    %convert_element_type3A = arith.extui %eq3A_0 : i1 to i32
    %cond3A = arith.constant 0 : i32
    %cond3A_1 = arith.cmpi ne, %convert_element_type3A, %cond3A : i32
    scf.if %cond3A_1 {
      %broadcast_in_dim3A_66 = arith.constant 0.000000e+00 : f32
      %broadcast_in_dim3A_67 = vector.broadcast %broadcast_in_dim3A_66 : f32 to vector<1x8192xf32>
      %swap3A_68 = arith.constant 0 : index
      %swap3A_69 = arith.constant 0 : index
      %swap3A_70 = vector.load %arg5[%swap3A_68, %swap3A_69] : memref<1x8192xf32, #tpu.memory_space<vmem>>, vector<1x8192xf32>
      tpu.vector_store %arg5[%swap3A_68, %swap3A_69], %broadcast_in_dim3A_67 {strides = array<i32>} : memref<1x8192xf32, #tpu.memory_space<vmem>>, vector<1x8192xf32>,
    } else {
    }
    %iota3A = tpu.iota {dimensions = array<i32: 1>} : vector<256x257xi32>
    %eq3A_2 = arith.constant 0 : i32
    %eq3A_3 = vector.broadcast %eq3A_2 : i32 to vector<256x257xi32>
    %eq3A_4 = arith.cmpi eq, %iota3A, %eq3A_3 : vector<256x257xi32>
    %get3A = arith.constant 0 : index
    %get3A_5 = arith.constant 0 : index
    %get3A_6 = vector.load %arg1[%get3A, %get3A_5] : memref<256x257xf32, #tpu.memory_space<vmem>>, vector<256x257xf32>
    %jit3A = arith.constant 0.000000e+00 : f32
    %broadcast_in_dim3A = vector.broadcast %jit3A : f32 to vector<256x257xf32>
    %select_n3A = arith.select %eq3A_4, %broadcast_in_dim3A, %get3A_6 : vector<256x257xi1>, vector<256x257xf32>
    %get3A_7 = arith.constant 0 : index
    %get3A_8 = arith.constant 0 : index
    %get3A_9 = vector.load %arg2[%get3A_7, %get3A_8] : memref<8192x257xf32, #tpu.memory_space<vmem>>, vector<8192x257xf32>
    %dot_general3A = arith.constant dense<0.000000e+00> : vector<256x8192xf32>
    %dot_general3A_10 = tpu.matmul %select_n3A, %get3A_9, %dot_general3A {dimension_numbers = #tpu.dot_dimension_numbers<[1], [1], [0], [0], [0, 0, 1, 0], [], []>, transpose_lhs_hint = false} : vector<256x257xf32>, vector<8192x257xf32>, vector<256x8192xf32> -> vector<256x8192xf32>
    %get3A_11 = arith.constant 0 : index
    %get3A_12 = arith.constant 0 : index
    %get3A_13 = vector.load %arg1[%get3A_11, %get3A_12] : memref<256x257xf32, #tpu.memory_space<vmem>>, vector<256x1xf32>
    %get3A_14 = arith.constant 0 : index
    %get3A_15 = arith.constant 0 : index
    %get3A_16 = vector.load %arg3[%get3A_14, %get3A_15] : memref<1x8192xf32, #tpu.memory_space<vmem>>, vector<1x8192xf32>
    %mul3A = vector.broadcast %get3A_13 : vector<256x1xf32> to vector<256x8192xf32>
    %mul3A_17 = vector.broadcast %get3A_16 : vector<1x8192xf32> to vector<256x8192xf32>
    %mul3A_18 = arith.mulf %mul3A, %mul3A_17 : vector<256x8192xf32>
    %sub3A = arith.subf %mul3A_18, %dot_general3A_10 : vector<256x8192xf32>
    %max3A = arith.constant 1.00000012 : f32
    %max3A_19 = vector.broadcast %max3A : f32 to vector<256x8192xf32>
    %max3A_20 = arith.maximumf %sub3A, %max3A_19 : vector<256x8192xf32>
    %slice3A = vector.extract_strided_slice %max3A_20 {offsets = [0, 0], sizes = [256, 4096], strides = [1, 1]} : vector<256x8192xf32> to vector<256x4096xf32>
    %slice3A_21 = vector.extract_strided_slice %max3A_20 {offsets = [0, 4096], sizes = [256, 4096], strides = [1, 1]} : vector<256x8192xf32> to vector<256x4096xf32>
    %reduce_min3A = arith.constant dense<0x7F800000> : vector<256xf32>
    %reduce_min3A_22 = vector.multi_reduction <minimumf>, %slice3A, %reduce_min3A [1] : vector<256x4096xf32> to vector<256xf32>
    %broadcast_in_dim3A_23 = vector.shape_cast %reduce_min3A_22 : vector<256xf32> to vector<256x1xf32>
    %reduce_min3A_24 = arith.constant dense<0x7F800000> : vector<256xf32>
    %reduce_min3A_25 = vector.multi_reduction <minimumf>, %slice3A_21, %reduce_min3A_24 [1] : vector<256x4096xf32> to vector<256xf32>
    %broadcast_in_dim3A_26 = vector.shape_cast %reduce_min3A_25 : vector<256xf32> to vector<256x1xf32>
    %iota3A_27 = tpu.iota {dimensions = array<i32: 1>} : vector<256x4096xi32>
    %eq3A_28 = vector.broadcast %broadcast_in_dim3A_23 : vector<256x1xf32> to vector<256x4096xf32>
    %eq3A_29 = arith.cmpf oeq, %slice3A, %eq3A_28 : vector<256x4096xf32>
    %jit3A_30 = arith.constant 8192 : i32
    %broadcast_in_dim3A_31 = vector.broadcast %jit3A_30 : i32 to vector<256x4096xi32>
    %select_n3A_32 = arith.select %eq3A_29, %iota3A_27, %broadcast_in_dim3A_31 : vector<256x4096xi1>, vector<256x4096xi32>
    %reduce_min3A_33 = arith.constant dense<2147483647> : vector<256xi32>
    %reduce_min3A_34 = vector.multi_reduction <minsi>, %select_n3A_32, %reduce_min3A_33 [1] : vector<256x4096xi32> to vector<256xi32>
    %broadcast_in_dim3A_35 = vector.shape_cast %reduce_min3A_34 : vector<256xi32> to vector<256x1xi32>
    %eq3A_36 = vector.broadcast %broadcast_in_dim3A_26 : vector<256x1xf32> to vector<256x4096xf32>
    %eq3A_37 = arith.cmpf oeq, %slice3A_21, %eq3A_36 : vector<256x4096xf32>
    %add3A = arith.constant 4096 : i32
    %add3A_38 = vector.broadcast %add3A : i32 to vector<256x4096xi32>
    %add3A_39 = arith.addi %iota3A_27, %add3A_38 : vector<256x4096xi32>
    %jit3A_40 = arith.constant 8192 : i32
    %broadcast_in_dim3A_41 = vector.broadcast %jit3A_40 : i32 to vector<256x4096xi32>
    %select_n3A_42 = arith.select %eq3A_37, %add3A_39, %broadcast_in_dim3A_41 : vector<256x4096xi1>, vector<256x4096xi32>
    %reduce_min3A_43 = arith.constant dense<2147483647> : vector<256xi32>
    %reduce_min3A_44 = vector.multi_reduction <minsi>, %select_n3A_42, %reduce_min3A_43 [1] : vector<256x4096xi32> to vector<256xi32>
    %broadcast_in_dim3A_45 = vector.shape_cast %reduce_min3A_44 : vector<256xi32> to vector<256x1xi32>
    %le3A = arith.cmpf ole, %broadcast_in_dim3A_26, %broadcast_in_dim3A_23 : vector<256x1xf32>
    %select_n3A_46 = arith.select %le3A, %broadcast_in_dim3A_45, %broadcast_in_dim3A_35 : vector<256x1xi1>, vector<256x1xi32>
    %swap3A = arith.constant 0 : index
    %swap3A_47 = arith.constant 0 : index
    %swap3A_48 = arith.constant 0 : index
    %swap3A_49 = vector.load %arg4[%swap3A, %swap3A_47, %swap3A_48] : memref<1x256x1xi32, #tpu.memory_space<vmem>>, vector<1x256x1xi32>
    %swap3A_50 = vector.shape_cast %swap3A_49 : vector<1x256x1xi32> to vector<256x1xi32>
    %swap3A_51 = vector.shape_cast %select_n3A_46 : vector<256x1xi32> to vector<1x256x1xi32>
    tpu.vector_store %arg4[%swap3A, %swap3A_47, %swap3A_48], %swap3A_51 {strides = array<i32>} : memref<1x256x1xi32, #tpu.memory_space<vmem>>, vector<1x256x1xi32>,
    %iota3A_52 = tpu.iota {dimensions = array<i32: 1>} : vector<256x8192xi32>
    %get3A_53 = arith.constant 0 : index
    %get3A_54 = arith.constant 0 : index
    %get3A_55 = vector.load %arg5[%get3A_53, %get3A_54] : memref<1x8192xf32, #tpu.memory_space<vmem>>, vector<1x8192xf32>
    %eq3A_56 = vector.broadcast %select_n3A_46 : vector<256x1xi32> to vector<256x8192xi32>
    %eq3A_57 = arith.cmpi eq, %iota3A_52, %eq3A_56 : vector<256x8192xi32>
    %convert_element_type3A_58 = arith.extui %eq3A_57 : vector<256x8192xi1> to vector<256x8192xi32>
    %convert_element_type3A_59 = arith.sitofp %convert_element_type3A_58 : vector<256x8192xi32> to vector<256x8192xf32>
    %reduce_sum3A = arith.constant dense<0.000000e+00> : vector<8192xf32>
    %reduce_sum3A_60 = vector.multi_reduction <add>, %convert_element_type3A_59, %reduce_sum3A [0] : vector<256x8192xf32> to vector<8192xf32>
    %broadcast_in_dim3A_61 = vector.shape_cast %reduce_sum3A_60 : vector<8192xf32> to vector<1x8192xf32>
    %add3A_62 = arith.addf %get3A_55, %broadcast_in_dim3A_61 : vector<1x8192xf32>
    %swap3A_63 = arith.constant 0 : index
    %swap3A_64 = arith.constant 0 : index
    %swap3A_65 = vector.load %arg5[%swap3A_63, %swap3A_64] : memref<1x8192xf32, #tpu.memory_space<vmem>>, vector<1x8192xf32>
    tpu.vector_store %arg5[%swap3A_63, %swap3A_64], %add3A_62 {strides = array<i32>} : memref<1x8192xf32, #tpu.memory_space<vmem>>, vector<1x8192xf32>,
    return
  }
  func.func @transform_0(%arg0: i32) -> (i32, i32) {
    %c0_i32 = arith.constant 0 : i32
    %c0_i32_0 = arith.constant 0 : i32
    return %arg0, %c0_i32 : i32, i32
  }
  func.func @transform_1(%arg0: i32) -> (i32, i32) {
    %c0_i32 = arith.constant 0 : i32
    %c0_i32_0 = arith.constant 0 : i32
    %c0_i32_1 = arith.constant 0 : i32
    return %c0_i32, %c0_i32_0 : i32, i32
  }
  func.func @transform_2(%arg0: i32) -> (i32, i32) {
    %c0_i32 = arith.constant 0 : i32
    %c0_i32_0 = arith.constant 0 : i32
    %c0_i32_1 = arith.constant 0 : i32
    return %c0_i32, %c0_i32_0 : i32, i32
  }
  func.func @transform_3(%arg0: i32) -> (i32, i32, i32) {
    %c0_i32 = arith.constant 0 : i32
    %c0_i32_0 = arith.constant 0 : i32
    %c0_i32_1 = arith.constant 0 : i32
    return %arg0, %c0_i32, %c0_i32_0 : i32, i32, i32
  }
  func.func @transform_4(%arg0: i32) -> (i32, i32) {
    %c0_i32 = arith.constant 0 : i32
    %c0_i32_0 = arith.constant 0 : i32
    %c0_i32_1 = arith.constant 0 : i32
    return %c0_i32, %c0_i32_0 : i32, i32
  }
}

module attributes {stable_mosaic.version = 14 : i64} {
  func.func @_loss_body(%arg0: memref<4608x257xf32, #tpu.memory_space<vmem>>, %arg1: memref<4608x257xf32, #tpu.memory_space<vmem>>, %arg2: memref<1x8192xf32, #tpu.memory_space<vmem>>, %arg3: memref<1x8192xf32, #tpu.memory_space<vmem>>, %arg4: memref<1x128xf32, #tpu.memory_space<vmem>>) attributes {dimension_semantics = [], scalar_prefetch = 0 : i64, scratch_operands = 0 : i64, tpu.core_type = #tpu.core_type<tc>} {
    %get3A = arith.constant 0 : index
    %get3A_0 = arith.constant 0 : index
    %get3A_1 = vector.load %arg0[%get3A, %get3A_0] : memref<4608x257xf32, #tpu.memory_space<vmem>>, vector<4608x257xf32>
    %get3A_2 = arith.constant 0 : index
    %get3A_3 = arith.constant 0 : index
    %get3A_4 = vector.load %arg1[%get3A_2, %get3A_3] : memref<4608x257xf32, #tpu.memory_space<vmem>>, vector<4608x257xf32>
    %slice3A = vector.extract_strided_slice %get3A_1 {offsets = [0, 0], sizes = [4608, 1], strides = [1, 1]} : vector<4608x257xf32> to vector<4608x1xf32>
    %slice3A_5 = vector.extract_strided_slice %get3A_4 {offsets = [0, 0], sizes = [4608, 1], strides = [1, 1]} : vector<4608x257xf32> to vector<4608x1xf32>
    %mul3A = arith.mulf %slice3A, %slice3A_5 : vector<4608x1xf32>
    %mul3A_6 = arith.mulf %get3A_1, %get3A_4 : vector<4608x257xf32>
    %reduce_sum3A = arith.constant dense<0.000000e+00> : vector<4608xf32>
    %reduce_sum3A_7 = vector.multi_reduction <add>, %mul3A_6, %reduce_sum3A [1] : vector<4608x257xf32> to vector<4608xf32>
    %broadcast_in_dim3A = vector.shape_cast %reduce_sum3A_7 : vector<4608xf32> to vector<4608x1xf32>
    %mul3A_8 = arith.constant 2.000000e+00 : f32
    %mul3A_9 = vector.broadcast %mul3A_8 : f32 to vector<4608x1xf32>
    %mul3A_10 = arith.mulf %mul3A_9, %mul3A : vector<4608x1xf32>
    %sub3A = arith.subf %mul3A_10, %broadcast_in_dim3A : vector<4608x1xf32>
    %max3A = arith.constant 1.00000012 : f32
    %max3A_11 = vector.broadcast %max3A : f32 to vector<4608x1xf32>
    %max3A_12 = arith.maximumf %sub3A, %max3A_11 : vector<4608x1xf32>
    %sub3A_13 = arith.constant 1.000000e+00 : f32
    %sub3A_14 = vector.broadcast %sub3A_13 : f32 to vector<4608x1xf32>
    %sub3A_15 = arith.subf %max3A_12, %sub3A_14 : vector<4608x1xf32>
    %add3A = arith.constant 1.000000e+00 : f32
    %add3A_16 = vector.broadcast %add3A : f32 to vector<4608x1xf32>
    %add3A_17 = arith.addf %max3A_12, %add3A_16 : vector<4608x1xf32>
    %mul3A_18 = arith.mulf %sub3A_15, %add3A_17 : vector<4608x1xf32>
    %sqrt3A = math.sqrt %mul3A_18 : vector<4608x1xf32>
    %add3A_19 = arith.addf %max3A_12, %sqrt3A : vector<4608x1xf32>
    %log3A = math.log %add3A_19 : vector<4608x1xf32>
    %reduce_sum3A_20 = vector.shape_cast %log3A : vector<4608x1xf32> to vector<1x4608x1xf32>
    %reduce_sum3A_21 = arith.constant dense<0.000000e+00> : vector<1xf32>
    %reduce_sum3A_22 = vector.multi_reduction <add>, %reduce_sum3A_20, %reduce_sum3A_21 [1, 2] : vector<1x4608x1xf32> to vector<1xf32>
    %reduce_sum3A_23 = vector.shape_cast %reduce_sum3A_22 : vector<1xf32> to vector<1x1x1xf32>
    %reduce_sum3A_24 = vector.extract %reduce_sum3A_23[0, 0, 0] : f32 from vector<1x1x1xf32>
    %mul3A_25 = arith.constant 2.71267374E-4 : f32
    %mul3A_26 = arith.mulf %reduce_sum3A_24, %mul3A_25 : f32
    %get3A_27 = arith.constant 0 : index
    %get3A_28 = arith.constant 0 : index
    %get3A_29 = vector.load %arg2[%get3A_27, %get3A_28] : memref<1x8192xf32, #tpu.memory_space<vmem>>, vector<1x8192xf32>
    %mul3A_30 = arith.constant 2.17013891E-4 : f32
    %mul3A_31 = vector.broadcast %mul3A_30 : f32 to vector<1x8192xf32>
    %mul3A_32 = arith.mulf %get3A_29, %mul3A_31 : vector<1x8192xf32>
    %swap3A = arith.constant 0 : index
    %swap3A_33 = arith.constant 0 : index
    %swap3A_34 = vector.load %arg3[%swap3A, %swap3A_33] : memref<1x8192xf32, #tpu.memory_space<vmem>>, vector<1x8192xf32>
    tpu.vector_store %arg3[%swap3A, %swap3A_33], %mul3A_32 {strides = array<i32>} : memref<1x8192xf32, #tpu.memory_space<vmem>>, vector<1x8192xf32>,
    %add3A_35 = arith.constant 1.000000e-10 : f32
    %add3A_36 = vector.broadcast %add3A_35 : f32 to vector<1x8192xf32>
    %add3A_37 = arith.addf %mul3A_32, %add3A_36 : vector<1x8192xf32>
    %log3A_38 = math.log %add3A_37 : vector<1x8192xf32>
    %mul3A_39 = arith.mulf %mul3A_32, %log3A_38 : vector<1x8192xf32>
    %reduce_sum3A_40 = vector.shape_cast %mul3A_39 : vector<1x8192xf32> to vector<1x1x8192xf32>
    %reduce_sum3A_41 = arith.constant dense<0.000000e+00> : vector<1xf32>
    %reduce_sum3A_42 = vector.multi_reduction <add>, %reduce_sum3A_40, %reduce_sum3A_41 [1, 2] : vector<1x1x8192xf32> to vector<1xf32>
    %reduce_sum3A_43 = vector.shape_cast %reduce_sum3A_42 : vector<1xf32> to vector<1x1x1xf32>
    %reduce_sum3A_44 = vector.extract %reduce_sum3A_43[0, 0, 0] : f32 from vector<1x1x1xf32>
    %neg3A = arith.constant 0.000000e+00 : f32
    %neg3A_45 = arith.subf %neg3A, %reduce_sum3A_44 : f32
    %broadcast_in_dim3A_46 = vector.broadcast %mul3A_26 : f32 to vector<1x128xf32>
    %broadcast_in_dim3A_47 = vector.broadcast %neg3A_45 : f32 to vector<1x128xf32>
    %exp3A = math.exp %broadcast_in_dim3A_47 : vector<1x128xf32>
    %iota3A = tpu.iota {dimensions = array<i32: 1>} : vector<1x128xi32>
    %eq3A = arith.constant 0 : i32
    %eq3A_48 = vector.broadcast %eq3A : i32 to vector<1x128xi32>
    %eq3A_49 = arith.cmpi eq, %iota3A, %eq3A_48 : vector<1x128xi32>
    %eq3A_50 = arith.constant 1 : i32
    %eq3A_51 = vector.broadcast %eq3A_50 : i32 to vector<1x128xi32>
    %eq3A_52 = arith.cmpi eq, %iota3A, %eq3A_51 : vector<1x128xi32>
    %eq3A_53 = arith.constant 2 : i32
    %eq3A_54 = vector.broadcast %eq3A_53 : i32 to vector<1x128xi32>
    %eq3A_55 = arith.cmpi eq, %iota3A, %eq3A_54 : vector<1x128xi32>
    %jit3A = arith.constant 0.000000e+00 : f32
    %broadcast_in_dim3A_56 = vector.broadcast %jit3A : f32 to vector<1x128xf32>
    %select_n3A = arith.select %eq3A_55, %exp3A, %broadcast_in_dim3A_56 : vector<1x128xi1>, vector<1x128xf32>
    %select_n3A_57 = arith.select %eq3A_52, %broadcast_in_dim3A_47, %select_n3A : vector<1x128xi1>, vector<1x128xf32>
    %select_n3A_58 = arith.select %eq3A_49, %broadcast_in_dim3A_46, %select_n3A_57 : vector<1x128xi1>, vector<1x128xf32>
    %swap3A_59 = arith.constant 0 : index
    %swap3A_60 = arith.constant 0 : index
    %swap3A_61 = vector.load %arg4[%swap3A_59, %swap3A_60] : memref<1x128xf32, #tpu.memory_space<vmem>>, vector<1x128xf32>
    tpu.vector_store %arg4[%swap3A_59, %swap3A_60], %select_n3A_58 {strides = array<i32>} : memref<1x128xf32, #tpu.memory_space<vmem>>, vector<1x128xf32>,
    return
  }
}

</mosaic_0001>

<sc_bundles>
// kernel: kernel.5.cloned.1.call-start
scs
__scs_entry_jumppad:
0x0: {  	(pc) =	sbr.rel $0x88, $3  }
0x1: {  	(tag) =	ssettag $0x0;
	lr =	simm.s32 $0x1  }
0x2: {  	[smem:$0x3F9F] =	sst lr;
	_ =	strace $0xD0000000  }
0x3: {  	_ = 	snop  }
0x4: {  	_ = 	snop  }
0x5: {  	_ = 	snop  }
0x6: {  	_ = 	snop  }
0x7: {  	_ = 	snop  }
__scs_overlays_trampoline_lowered:
0x8: {  	[smem:$0x3FAE] =	sst s0  }
0x9: {  	[smem:$0x3FAF] =	sst s1  }
0xa: {  	[smem:$0x3FB0] =	sst s2  }
0xb: {  	[smem:$0x3FB1] =	sst s3  }
0xc: {  	[smem:$0x3FB2] =	sst s4  }
0xd: {  	[smem:$0x3FB3] =	sst s5  }
0xe: {  	[smem:$0x3FB4] =	sst s6  }
0xf: {  	[smem:$0x3FB5] =	sst s7  }
0x10: {  	[smem:$0x3FB6] =	sst s8  }
0x11: {  	[smem:$0x3FB7] =	sst s9;
	s0 =	simm.s32 @!p0 $0x0  }
0x12: {  	s1 =	sld [smem:$0x3F9D];
	s0 =	simm.s32 @p0 $0x1  }
0x13: {  	[smem:$0x3FB8] =	sst s0;
	s0 =	simm.s32 @!p1 $0x0  }
0x14: {  	s2 =	sld [smem:$0x3F9C];
	s0 =	simm.s32 @p1 $0x1  }
0x15: {  	[smem:$0x3FB9] =	sst s0;
	s0 =	simm.s32 @!p2 $0x0  }
0x16: {  	s3 =	sld [smem:$0x3FDB];
	s0 =	simm.s32 @p2 $0x1  }
0x17: {  	s4 =	simm.s32 $0x1BF5;
	[smem:$0x3FBB] =	sst s0  }
0x18: {  	s0 =	sld [smem:$0x3F9E];
	_ =	swait.ge [sflag:s4], $0x0  }
0x19: {  	s7 =	sld [smem:$0x3F9F]  }
0x1a: {  	s8 =	sadd.s32 $0xFFFFE003, lr  }
0x1b: {  	s9 =	sadd.s32 $0xFFFFFEF7, lr;
	s5 =	simm.s32 $0xFFFFFFFF;
	p2 =	slt.u32 s8, $0xFFFFF086  }
0x1c: {  	p1 =	slt.u32 s9, $0xF7A;
	s5 =	simm.s32 @!p2 $0x0  }
0x1d: {  	s5 =	simm.s32 @p1 $0x1;
	p0 =	seq.s32 s7, s2  }
0x1e: {  	s7 =	smul.u32 @!p0 $0xF7A, s2;
	p2 =	seq.s32 @!p0 s5, $0x0  }
0x1f: {  	s9 =	smul.u32 $0xF7A, s1;
	s8 =	simm.s32 @!p0 $0x1BF5;
	p2 =	por !p2, p0  }
0x20: {  	[sflag:s8] =	ssyncset.s32 @!p0 $0xFFFFF086;
	s6 =	sadd.s32 @!p0 s3, s7;
	s7 =	simm.s32 @!p0 $0x108  }
0x21: {  	s3 =	sadd.s32 s3, s9;
	s6 =	sadd.s32 @!p0 $0x88, s6;
	s7 =	simm.s32 @p2 $0x1082  }
0x22: {  	[simem:s7], [sflag:s8] =	dma.local @!p0 [hbm:s6], $0xF7A  }
0x23: {  	s9 =	sor.u32 $0xD0000000, s2;
	s6 =	simm.s32 $0x108;
	_ =	swait.ge @!p0 [sflag:s8], $0x0  }
0x24: {  	s3 =	sadd.s32 $0x88, s3;
	s6 =	simm.s32 @!p1 $0x1082;
	[sflag:s4] =	ssyncset.s32 $0xFFFFF086  }
0x25: {  	[simem:s6], [sflag:s4] =	dma.local [hbm:s3], $0xF7A  }
0x26: {  	[smem:$0x3F9F] =	sst s1;
	(tag) =	ssettag s2;
	_ =	strace s9  }
0x27: {  	s1 =	sld [smem:$0x3FAF]  }
0x28: {  	s2 =	sld [smem:$0x3FB0]  }
0x29: {  	s4 =	sld [smem:$0x3FB2]  }
0x2a: {  	p0 =	seq.s32 s5, $0x0;
	s5 =	sld [smem:$0x3FB3]  }
0x2b: {  	s6 =	sld [smem:$0x3FB4]  }
0x2c: {  	s7 =	sld [smem:$0x3FB5]  }
0x2d: {  	s3 =	simm.s32 $0x108;
	s8 =	sld [smem:$0x3FB6]  }
0x2e: {  	s3 =	simm.s32 @!p0 $0x1082;
	s9 =	sld [smem:$0x3FB7]  }
0x2f: {  	lr =	sadd.s32 s0, s3;
	s0 =	sld [smem:$0x3FAE]  }
0x30: {  	s3 =	sld [smem:$0x3FB1]  }
0x31: {  	[smem:$0x3FBA] =	sst s10  }
0x32: {  	s10 =	sld [smem:$0x3FB8];
	_ =	sdelay $0x3  }
0x33: {  	p0 =	seq.s32 s10, $0x1;
	s10 =	sld [smem:$0x3FBA];
	_ =	sdelay $0x3  }
0x34: {  	[smem:$0x3FBA] =	sst s10  }
0x35: {  	s10 =	sld [smem:$0x3FB9];
	_ =	sdelay $0x3  }
0x36: {  	p1 =	seq.s32 s10, $0x1;
	s10 =	sld [smem:$0x3FBA];
	_ =	sdelay $0x3  }
0x37: {  	[smem:$0x3FBA] =	sst s10  }
0x38: {  	s10 =	sld [smem:$0x3FBB]  }
0x39: {  	_ = 	snop;
	(pc) =	sbr.ind lr, $3  }
0x3a: {  	_ = 	snop  }
0x3b: {  	_ = 	snop  }
0x3c: {  	p2 =	seq.s32 s10, $0x1;
	s10 =	sld [smem:$0x3FBA]  }
0x3d: {  	_ =	shalt  }
0x3e: {  	_ =	shalt  }
0x3f: {  	_ =	shalt  }
0x40: {  	_ =	shalt  }
0x41: {  	_ =	shalt  }
0x42: {  	_ =	shalt  }
0x43: {  	_ =	shalt  }
0x44: {  	_ =	shalt  }
0x45: {  	_ =	shalt  }
0x46: {  	_ =	shalt  }
0x47: {  	_ =	shalt  }
0x48: {  	_ =	shalt  }
0x49: {  	_ =	shalt  }
0x4a: {  	_ =	shalt  }
0x4b: {  	_ =	shalt  }
0x4c: {  	_ =	shalt  }
0x4d: {  	_ =	shalt  }
0x4e: {  	_ =	shalt  }
0x4f: {  	_ =	shalt  }
0x50: {  	_ =	shalt  }
0x51: {  	_ =	shalt  }
0x52: {  	_ =	shalt  }
0x53: {  	_ =	shalt  }
0x54: {  	_ =	shalt  }
0x55: {  	_ =	shalt  }
0x56: {  	_ =	shalt  }
0x57: {  	_ =	shalt  }
0x58: {  	_ =	shalt  }
0x59: {  	_ =	shalt  }
0x5a: {  	_ =	shalt  }
0x5b: {  	_ =	shalt  }
0x5c: {  	_ =	shalt  }
0x5d: {  	_ =	shalt  }
0x5e: {  	_ =	shalt  }
0x5f: {  	_ =	shalt  }
0x60: {  	_ =	shalt  }
0x61: {  	_ =	shalt  }
0x62: {  	_ =	shalt  }
0x63: {  	_ =	shalt  }
0x64: {  	_ =	shalt  }
0x65: {  	_ =	shalt  }
0x66: {  	_ =	shalt  }
0x67: {  	_ =	shalt  }
0x68: {  	_ =	shalt  }
0x69: {  	_ =	shalt  }
0x6a: {  	_ =	shalt  }
0x6b: {  	_ =	shalt  }
0x6c: {  	_ =	shalt  }
0x6d: {  	_ =	shalt  }
0x6e: {  	_ =	shalt  }
0x6f: {  	_ =	shalt  }
0x70: {  	_ =	shalt  }
0x71: {  	_ =	shalt  }
0x72: {  	_ =	shalt  }
0x73: {  	_ =	shalt  }
0x74: {  	_ =	shalt  }
0x75: {  	_ =	shalt  }
0x76: {  	_ =	shalt  }
0x77: {  	_ =	shalt  }
0x78: {  	_ =	shalt  }
0x79: {  	_ =	shalt  }
0x7a: {  	_ =	shalt  }
0x7b: {  	_ =	shalt  }
0x7c: {  	_ =	shalt  }
0x7d: {  	_ =	shalt  }
0x7e: {  	_ =	shalt  }
0x7f: {  	_ =	shalt  }
0x80: {  	_ =	shalt  }
0x81: {  	_ =	shalt  }
0x82: {  	_ =	shalt  }
0x83: {  	_ =	shalt  }
0x84: {  	_ =	shalt  }
0x85: {  	_ =	shalt  }
0x86: {  	_ =	shalt  }
0x87: {  	_ =	shalt  }
.Lfunc_end0:
.L_simem_size_0:
called_computation_lowered:
.L_overlay_start_0:
0x88: {  	s2 =	sld [smem:$0x3FD9]  }
0x89: {  	s3 =	sld [smem:$0x3FFE];
	_ =	sdelay $0x1  }
0x8a: {  	s1 =	srdreg.scid  }
0x8b: {  	s0 =	sand.u32 $0x1, s1  }
0x8c: {  	s14 =	sshll.u32 s0, $0xA;
	s2 =	sadd.s32 s3, s2  }
0x8d: {  	s2 =	sadd.s32 s2, s14  }
0x8e: {  	[smem:$0x3FC6] =	sst s2  }
0x8f: {  	_ = 	snop  }
0x90: {  	s2 =	sld [smem:$0x3FD0];
	_ =	sdelay $0x2  }
0x91: {  	s15 =	simm.s32 $0xA;
	s4 =	simm.s32 $0x10  }
0x92: {  	[smem:s4], [sflag:s15] =	dma.local [hbm:s2], $0x1  }
0x93: {  	_ =	swait.eq [sflag:s15], $0x1  }
0x94: {  	[sflag:s15] =	ssyncset.done $0x0  }
0x95: {  	s16 =	sld [smem:$0x11];
	[sflag:s15] =	ssyncadd.s32 $0xFFFFFFFF  }
0x96: {  	s17 =	sld [smem:$0x14];
	(tm) =	ssettm $0x1  }
0x97: {  	s18 =	sld [smem:$0x3FFB];
	_ =	sdelay $0x3  }
0x98: {  	_ =	strace s18  }
0x99: {  	s4 =	sld [smem:$0x3FFC];
	_ =	sdelay $0x3  }
0x9a: {  	_ =	strace s4  }
0x9b: {  	s4 =	sld [smem:$0x3FFD];
	_ =	sdelay $0x3  }
0x9c: {  	_ =	strace s4  }
0x9d: {  	_ =	strace $0x8FFFFFFF  }
0x9e: {  	s19 =	sld [smem:$0x3FDB];
	_ =	sdelay $0x1  }
0x9f: {  	s5 =	simm.s32 $_scs_section_size  }
0xa0: {  	s6 =	simm.s32 $_size__tile_overlayer_lowered;
	s7 =	simm.s32 $_tile_overlayer_lowered  }
0xa1: {  	s22 =	simm.s32 $0x1BFF;
	s21 =	sshll.u32 s7, $0x1;
	s4 =	sadd.s32 s5, s19  }
0xa2: {  	s8 =	simm.s32 $0x0;
	s20 =	sshll.u32 s6, $0x1;
	s6 =	sadd.s32 s21, s4  }
0xa3: {  	[timem:s8], [sflag:s22] =	dma.local [hbm:s6], s20  }
0xa4: {  	_ =	swait.ge [sflag:s22], s20  }
0xa5: {  	s5 =	ssub.s32 $0x0, s20;
	[sflag:s22] =	ssyncset.done $0x0  }
0xa6: {  	[sflag:s22] =	ssyncadd.s32 s5;
	_ =	sdelay $0x1  }
0xa7: {  	s23 =	simm.s32 $0x1B8B  }
0xa8: {  	_ =	swait.ge [sflag:s23], $0x1  }
0xa9: {  	[sflag:s23] =	ssyncset.done $0x0  }
0xaa: {  	s25 =	simm.s32 $0x1B8E;
	s24 =	sld [smem:$0x3FFE];
	[sflag:s23] =	ssyncadd.s32 $0xFFFFFFFF  }
0xab: {  	s26 =	simm.s32 $execute0_lowered;
	[smem:$0x3FD2] =	sst s25  }
0xac: {  	s6 =	sshll.u32 s26, $0x1;
	_ =	strace $0x80000046;
	[dreg:$0x1] =	wrdreg $0xFFFFFFFF  }
0xad: {  	s28 =	simm.s32 $_size_execute0_lowered;
	s4 =	sadd.s32 s4, s6;
	[dreg:$0x0] =	wrdreg $0x0  }
0xae: {  	s6 =	sshll.u32 s28, $0x1;
	[dreg:$0x2] =	wrdreg s4  }
0xaf: {  	[dreg:$0x3] =	wrdreg s6  }
0xb0: {  	[dreg:$0x4] =	wrdreg $0xC0  }
0xb1: {  	_ =	task [dreg:s8], $0x5FFFF  }
0xb2: {  	[dreg:$0x1] =	wrdreg $0xFFFFFFFF  }
0xb3: {  	[dreg:$0x0] =	wrdreg $0x60  }
0xb4: {  	[dreg:$0x2] =	wrdreg s24  }
0xb5: {  	[dreg:$0x3] =	wrdreg s17  }
0xb6: {  	[dreg:$0x4] =	wrdreg s16  }
0xb7: {  	[dreg:$0x5] =	wrdreg $0x9  }
0xb8: {  	_ =	task.clear_ibuf [dreg:s8], $0x6FFFF;
	_ =	strace $0x90000046  }
0xb9: {  	s29 =	simm.s32 $0x9;
	_ =	strace $0x80000048  }
0xba: {  	_ =	swait.ge [sflag:s29], $0x1  }
0xbb: {  	[sflag:s29] =	ssyncadd.s32 $0xFFFFFFFF  }
0xbc: {  	_ =	strace $0x90000048  }
0xbd: {  	_ =	sfence  }
0xbe: {  	s30 =	sld [smem:$0x0];
	_ =	sdelay $0x2  }
0xbf: {  	s31 =	sshll.u32 s1, $0xD;
	s1 =	sshrl.u32 s1, $0x2  }
0xc0: {  	s3 =	sand.u32 $0x4000, s31;
	s1 =	sadd.s32 s1, s30  }
0xc1: {  	s0 =	sor.u32 s3, s0;
	s1 =	sshll.u32 s1, $0x11  }
0xc2: {  	s0 =	sor.u32 s1, s0  }
0xc3: {  	s0 =	sadd.s32 $0x8F2B, s0  }
0xc4: {  	[sflag:s0] =	ssyncadd.remote.s32 $0x1  }
0xc5: {  	_ =	sfence.sel $0xFFFF  }
0xc6: {  	[dreg:$0x0] =	wrdreg $0xFFFFFFFF;
	(pc) =	sbr.abs _section_cstart, $3  }
0xc7: {  	[dreg:$0x1] =	wrdreg $0xFFFFFFFF  }
0xc8: {  	_ =	task.clear_ibuf [dreg:s8], $0x2FFFF;
	_ =	strace $0x9FFFFFFF  }
0xc9: {  	(tm) =	ssettm $0x7FFFFFFF  }
tec
execute0_lowered:
.L_overlay_start_1:
0x0: {  	(tag) =	ssettag $0x1  }
0x1: {  	s1 =	rddreg [dreg:$0x0]  }
0x2: {  	s2 =	srdreg.scid;
	s3 =	rddreg [dreg:$0x1]  }
0x3: {  	s0 =	stileid.u32;
	s5 =	rddreg [dreg:$0x2];
	s14 =	simm.s32 $0x900  }
0x4: {  	s15 =	simm.s32 $0xD00;
	s4 =	sand.u32 $0x1, s2;
	s2 =	simm.s32 $0x0  }
0x5: {  	s16 =	simm.s32 $0x1500;
	s17 =	simm.s32 $0x1900;
	[smem:$0x7FF] =	sst s2  }
0x6: {  	s18 =	simm.s32 $0x2100;
	_ =	strace $0x80000047;
	[dreg:$0x6] =	wrdreg s14  }
0x7: {  	s19 =	simm.s32 $0x2500;
	s20 =	simm.s32 $0x2D00;
	[dreg:$0x7] =	wrdreg s15  }
0x8: {  	s21 =	simm.s32 $0x3100;
	s23 =	simm.s32 $0x3900;
	[dreg:$0x8] =	wrdreg s16  }
0x9: {  	s24 =	simm.s32 $0x3D00;
	s25 =	simm.s32 $0x4500;
	[dreg:$0x9] =	wrdreg s17  }
0xa: {  	s26 =	simm.s32 $0x4900;
	s9 =	simm.s32 $0x5500;
	[dreg:$0xa] =	wrdreg s18  }
0xb: {  	s10 =	simm.s32 $0x5D00;
	s11 =	simm.s32 $0x6100;
	[dreg:$0xb] =	wrdreg s19  }
0xc: {  	s28 =	simm.s32 $0xC100;
	s29 =	simm.s32 $0xC900;
	[dreg:$0xc] =	wrdreg s20  }
0xd: {  	s30 =	simm.s32 $0xCD00;
	s12 =	sshll.u32 s0, $0x1;
	[dreg:$0xd] =	wrdreg s21  }
0xe: {  	s31 =	simm.s32 $0xD500;
	s6 =	sor.u32 s4, s12;
	[dreg:$0xe] =	wrdreg s23  }
0xf: {  	s4 =	ssub.s32 $0x2, s4;
	s7 =	smul.u32 $0x12, s6;
	[dreg:$0xf] =	wrdreg s24  }
0x10: {  	s12 =	simm.s32 $0x6900;
	s6 =	smul.u32 $0x1B00, s6;
	[dreg:$0x10] =	wrdreg s25  }
0x11: {  	s22 =	sshrl.u32 s4, $0x1;
	[dreg:$0x11] =	wrdreg s26;
	s14 =	simm.s32 $0x7500  }
0x12: {  	s15 =	simm.s32 $0x7900;
	s16 =	simm.s32 $0x8100;
	s17 =	simm.s32 $0x8500  }
0x13: {  	s18 =	simm.s32 $0x8D00;
	s19 =	simm.s32 $0x9100;
	s20 =	simm.s32 $0x9900  }
0x14: {  	s21 =	simm.s32 $0x9D00;
	s23 =	simm.s32 $0xA900;
	s24 =	simm.s32 $0xB100  }
0x15: {  	s25 =	simm.s32 $0xB500;
	s26 =	simm.s32 $0xBD00;
	s3 =	sadd.s32 s3, s7  }
0x16: {  	s13 =	sadd.s32 s5, s6;
	s6 =	ssub.s32 s4, s22;
	s4 =	sadd.s32 $0xB00, s1  }
0x17: {  	v2 =	vlaneseq.u32;
	s7 =	simm.s32 $0x100;
	s22 =	simm.s32 $0xA500;
	[dreg:$0x4] =	wrdreg s3  }
0x18: {  	vm0 =	vmmov $0xffff;
	vm1 =	vmmov $0xff;
	v1 =	vshrl.u32 v2, $0x3;
	[dreg:$0x5] =	wrdreg s13;
	s3 =	sadd.s32 $0xA00, s1;
	s5 =	smax.u32 s6, $0x1  }
0x19: {  	v0 =	vand.u32 $0x7, v2;
	v2 =	vor.u32 $0x8, v2;
	v1 =	vmul.u32 $0x8, v1;
	s6 =	simm.s32 $0x2;
	s13 =	simm.s32 $0x6D00;
	s1 =	simm.s32 $0x1  }
.LBB2_1:
0x1a: {  	s0 =	rddreg [dreg:$0x4]  }
0x1b: {  	[tilespmem:s2], [sflag:$0x2] =	stream.linear.gather [hbm4b:s0+s2], $0x90, $0x38;
	[tilespmem:$0xD900] =	vst v63  }
0x1c: {  	_ =	swait.ge [sflag:s6], $0x90  }
0x1d: {  	[sflag:s6] =	ssyncset.done $0x0  }
0x1e: {  	[sflag:s6] =	ssyncadd.s32 $0xFFFFFF70  }
0x1f: {  	v3 =	vld [tilespmem:$0x0];
	_ =	sdelay $0x4  }
0x20: {  	v4 =	vshrl.u32 v3, $0x3  }
0x21: {  	v4 =	vmul.u32 $0x18, v4  }
0x22: {  	v3 =	vand.u32 $0x7, v3  }
0x23: {  	v3 =	vor.u32 v3, v4  }
0x24: {  	v4 =	vperm.xlane v3, v0;
	_ =	sdelay $0x1  }
0x25: {  	v4 =	vadd.s32 v1, v4;
	_ =	sdelay $0x1  }
0x26: {  	v3 =	vperm.xlane v3, v2;
	_ =	sdelay $0x1  }
0x27: {  	v3 =	vadd.s32 v1, v3  }
0x28: {  	[tilespmem:s7], [sflag:$0x1] =	stream.indirect_vreg.gather [hbm4b:s3+s2], $0x80, v4, vm0, $0xb8;
	[tilespmem:$0xD900] =	vst v63  }
0x29: {  	s0 =	rddreg [dreg:$0x6]  }
0x2a: {  	[tilespmem:s0], [sflag:$0x1] =	stream.indirect_vreg.gather [hbm4b:s4+s2], $0x80, v4, vm1, $0xb8;
	[tilespmem:$0xD900] =	vst v63  }
0x2b: {  	s8 =	rddreg [dreg:$0x7]  }
0x2c: {  	[tilespmem:s8], [sflag:$0x1] =	stream.indirect_vreg.gather [hbm4b:s3+s2], $0x80, v3, vm0, $0xb8;
	[tilespmem:$0xD900] =	vst v63  }
0x2d: {  	s0 =	rddreg [dreg:$0x8]  }
0x2e: {  	[tilespmem:s0], [sflag:$0x1] =	stream.indirect_vreg.gather [hbm4b:s4+s2], $0x80, v3, vm1, $0xb8;
	[tilespmem:$0xD900] =	vst v63  }
0x2f: {  	v3 =	vld [tilespmem:$0x10];
	_ =	sdelay $0x4  }
0x30: {  	v56 =	vshrl.u32 v3, $0x3  }
0x31: {  	v4 =	vmul.u32 $0x18, v56  }
0x32: {  	v3 =	vand.u32 $0x7, v3  }
0x33: {  	v3 =	vor.u32 v3, v4  }
0x34: {  	v4 =	vperm.xlane v3, v0;
	_ =	sdelay $0x1  }
0x35: {  	v4 =	vadd.s32 v1, v4;
	_ =	sdelay $0x1  }
0x36: {  	v3 =	vperm.xlane v3, v2;
	_ =	sdelay $0x1  }
0x37: {  	s0 =	rddreg [dreg:$0x9];
	v3 =	vadd.s32 v1, v3  }
0x38: {  	[tilespmem:s0], [sflag:$0x1] =	stream.indirect_vreg.gather [hbm4b:s3+s2], $0x80, v4, vm0, $0xb8;
	[tilespmem:$0xD900] =	vst v63  }
0x39: {  	s8 =	rddreg [dreg:$0xa]  }
0x3a: {  	[tilespmem:s8], [sflag:$0x1] =	stream.indirect_vreg.gather [hbm4b:s4+s2], $0x80, v4, vm1, $0xb8;
	[tilespmem:$0xD900] =	vst v63  }
0x3b: {  	s0 =	rddreg [dreg:$0xb]  }
0x3c: {  	[tilespmem:s0], [sflag:$0x1] =	stream.indirect_vreg.gather [hbm4b:s3+s2], $0x80, v3, vm0, $0xb8;
	[tilespmem:$0xD900] =	vst v63  }
0x3d: {  	s8 =	rddreg [dreg:$0xc]  }
0x3e: {  	[tilespmem:s8], [sflag:$0x1] =	stream.indirect_vreg.gather [hbm4b:s4+s2], $0x80, v3, vm1, $0xb8;
	[tilespmem:$0xD900] =	vst v63  }
0x3f: {  	v3 =	vld [tilespmem:$0x20];
	_ =	sdelay $0x4  }
0x40: {  	v57 =	vshrl.u32 v3, $0x3  }
0x41: {  	v4 =	vmul.u32 $0x18, v57  }
0x42: {  	v3 =	vand.u32 $0x7, v3  }
0x43: {  	v3 =	vor.u32 v3, v4  }
0x44: {  	v4 =	vperm.xlane v3, v0;
	_ =	sdelay $0x1  }
0x45: {  	v4 =	vadd.s32 v1, v4;
	_ =	sdelay $0x1  }
0x46: {  	v3 =	vperm.xlane v3, v2;
	_ =	sdelay $0x1  }
0x47: {  	s0 =	rddreg [dreg:$0xd];
	v3 =	vadd.s32 v1, v3  }
0x48: {  	[tilespmem:s0], [sflag:$0x1] =	stream.indirect_vreg.gather [hbm4b:s3+s2], $0x80, v4, vm0, $0xb8;
	[tilespmem:$0xD900] =	vst v63  }
0x49: {  	s8 =	rddreg [dreg:$0xe]  }
0x4a: {  	[tilespmem:s8], [sflag:$0x1] =	stream.indirect_vreg.gather [hbm4b:s4+s2], $0x80, v4, vm1, $0xb8;
	[tilespmem:$0xD900] =	vst v63  }
0x4b: {  	s0 =	rddreg [dreg:$0xf]  }
0x4c: {  	[tilespmem:s0], [sflag:$0x1] =	stream.indirect_vreg.gather [hbm4b:s3+s2], $0x80, v3, vm0, $0xb8;
	[tilespmem:$0xD900] =	vst v63  }
0x4d: {  	s8 =	rddreg [dreg:$0x10]  }
0x4e: {  	[tilespmem:s8], [sflag:$0x1] =	stream.indirect_vreg.gather [hbm4b:s4+s2], $0x80, v3, vm1, $0xb8;
	[tilespmem:$0xD900] =	vst v63  }
0x4f: {  	v3 =	vld [tilespmem:$0x30];
	_ =	sdelay $0x4  }
0x50: {  	v58 =	vshrl.u32 v3, $0x3  }
0x51: {  	v4 =	vmul.u32 $0x18, v58  }
0x52: {  	v3 =	vand.u32 $0x7, v3  }
0x53: {  	v3 =	vor.u32 v3, v4  }
0x54: {  	v4 =	vperm.xlane v3, v0;
	_ =	sdelay $0x1  }
0x55: {  	v4 =	vadd.s32 v1, v4;
	_ =	sdelay $0x1  }
0x56: {  	v3 =	vperm.xlane v3, v2;
	_ =	sdelay $0x1  }
0x57: {  	s8 =	rddreg [dreg:$0x11];
	v3 =	vadd.s32 v1, v3  }
0x58: {  	[tilespmem:s8], [sflag:$0x1] =	stream.indirect_vreg.gather [hbm4b:s3+s2], $0x80, v4, vm0, $0xb8;
	[tilespmem:$0xD900] =	vst v63  }
0x59: {  	s8 =	simm.s32 $0x5100  }
0x5a: {  	[tilespmem:s8], [sflag:$0x1] =	stream.indirect_vreg.gather [hbm4b:s4+s2], $0x80, v4, vm1, $0xb8;
	[tilespmem:$0xD900] =	vst v63  }
0x5b: {  	_ = 	snop  }
0x5c: {  	[tilespmem:s9], [sflag:$0x1] =	stream.indirect_vreg.gather [hbm4b:s3+s2], $0x80, v3, vm0, $0xb8;
	[tilespmem:$0xD900] =	vst v63  }
0x5d: {  	_ = 	snop  }
0x5e: {  	[tilespmem:s10], [sflag:$0x1] =	stream.indirect_vreg.gather [hbm4b:s4+s2], $0x80, v3, vm1, $0xb8;
	[tilespmem:$0xD900] =	vst v63  }
0x5f: {  	v3 =	vld [tilespmem:$0x40];
	_ =	sdelay $0x4  }
0x60: {  	v59 =	vshrl.u32 v3, $0x3  }
0x61: {  	v4 =	vmul.u32 $0x18, v59  }
0x62: {  	v3 =	vand.u32 $0x7, v3  }
0x63: {  	v3 =	vor.u32 v3, v4  }
0x64: {  	v4 =	vperm.xlane v3, v0;
	_ =	sdelay $0x1  }
0x65: {  	v4 =	vadd.s32 v1, v4;
	_ =	sdelay $0x1  }
0x66: {  	v3 =	vperm.xlane v3, v2;
	_ =	sdelay $0x1  }
0x67: {  	v3 =	vadd.s32 v1, v3  }
0x68: {  	[tilespmem:s11], [sflag:$0x1] =	stream.indirect_vreg.gather [hbm4b:s3+s2], $0x80, v4, vm0, $0xb8;
	[tilespmem:$0xD900] =	vst v63  }
0x69: {  	_ = 	snop  }
0x6a: {  	[tilespmem:s12], [sflag:$0x1] =	stream.indirect_vreg.gather [hbm4b:s4+s2], $0x80, v4, vm1, $0xb8;
	[tilespmem:$0xD900] =	vst v63  }
0x6b: {  	_ = 	snop  }
0x6c: {  	[tilespmem:s13], [sflag:$0x1] =	stream.indirect_vreg.gather [hbm4b:s3+s2], $0x80, v3, vm0, $0xb8;
	[tilespmem:$0xD900] =	vst v63  }
0x6d: {  	_ = 	snop  }
0x6e: {  	[tilespmem:s14], [sflag:$0x1] =	stream.indirect_vreg.gather [hbm4b:s4+s2], $0x80, v3, vm1, $0xb8;
	[tilespmem:$0xD900] =	vst v63  }
0x6f: {  	v3 =	vld [tilespmem:$0x50];
	_ =	sdelay $0x4  }
0x70: {  	v60 =	vshrl.u32 v3, $0x3  }
0x71: {  	v4 =	vmul.u32 $0x18, v60  }
0x72: {  	v3 =	vand.u32 $0x7, v3  }
0x73: {  	v3 =	vor.u32 v3, v4  }
0x74: {  	v4 =	vperm.xlane v3, v0;
	_ =	sdelay $0x1  }
0x75: {  	v4 =	vadd.s32 v1, v4;
	_ =	sdelay $0x1  }
0x76: {  	v3 =	vperm.xlane v3, v2;
	_ =	sdelay $0x1  }
0x77: {  	v3 =	vadd.s32 v1, v3  }
0x78: {  	[tilespmem:s15], [sflag:$0x1] =	stream.indirect_vreg.gather [hbm4b:s3+s2], $0x80, v4, vm0, $0xb8;
	[tilespmem:$0xD900] =	vst v63  }
0x79: {  	_ = 	snop  }
0x7a: {  	[tilespmem:s16], [sflag:$0x1] =	stream.indirect_vreg.gather [hbm4b:s4+s2], $0x80, v4, vm1, $0xb8;
	[tilespmem:$0xD900] =	vst v63  }
0x7b: {  	_ = 	snop  }
0x7c: {  	[tilespmem:s17], [sflag:$0x1] =	stream.indirect_vreg.gather [hbm4b:s3+s2], $0x80, v3, vm0, $0xb8;
	[tilespmem:$0xD900] =	vst v63  }
0x7d: {  	_ = 	snop  }
0x7e: {  	[tilespmem:s18], [sflag:$0x1] =	stream.indirect_vreg.gather [hbm4b:s4+s2], $0x80, v3, vm1, $0xb8;
	[tilespmem:$0xD900] =	vst v63  }
0x7f: {  	v3 =	vld [tilespmem:$0x60];
	_ =	sdelay $0x4  }
0x80: {  	v61 =	vshrl.u32 v3, $0x3  }
0x81: {  	v4 =	vmul.u32 $0x18, v61  }
0x82: {  	v3 =	vand.u32 $0x7, v3  }
0x83: {  	v3 =	vor.u32 v3, v4  }
0x84: {  	v4 =	vperm.xlane v3, v0;
	_ =	sdelay $0x1  }
0x85: {  	v4 =	vadd.s32 v1, v4;
	_ =	sdelay $0x1  }
0x86: {  	v3 =	vperm.xlane v3, v2;
	_ =	sdelay $0x1  }
0x87: {  	v3 =	vadd.s32 v1, v3  }
0x88: {  	[tilespmem:s19], [sflag:$0x1] =	stream.indirect_vreg.gather [hbm4b:s3+s2], $0x80, v4, vm0, $0xb8;
	[tilespmem:$0xD900] =	vst v63  }
0x89: {  	_ = 	snop  }
0x8a: {  	[tilespmem:s20], [sflag:$0x1] =	stream.indirect_vreg.gather [hbm4b:s4+s2], $0x80, v4, vm1, $0xb8;
	[tilespmem:$0xD900] =	vst v63  }
0x8b: {  	_ = 	snop  }
0x8c: {  	[tilespmem:s21], [sflag:$0x1] =	stream.indirect_vreg.gather [hbm4b:s3+s2], $0x80, v3, vm0, $0xb8;
	[tilespmem:$0xD900] =	vst v63  }
0x8d: {  	_ = 	snop  }
0x8e: {  	[tilespmem:s22], [sflag:$0x1] =	stream.indirect_vreg.gather [hbm4b:s4+s2], $0x80, v3, vm1, $0xb8;
	[tilespmem:$0xD900] =	vst v63  }
0x8f: {  	v3 =	vld [tilespmem:$0x70];
	_ =	sdelay $0x4  }
0x90: {  	v62 =	vshrl.u32 v3, $0x3  }
0x91: {  	v4 =	vmul.u32 $0x18, v62  }
0x92: {  	v3 =	vand.u32 $0x7, v3  }
0x93: {  	v3 =	vor.u32 v3, v4  }
0x94: {  	v4 =	vperm.xlane v3, v0;
	_ =	sdelay $0x1  }
0x95: {  	v4 =	vadd.s32 v1, v4;
	_ =	sdelay $0x1  }
0x96: {  	v3 =	vperm.xlane v3, v2;
	_ =	sdelay $0x1  }
0x97: {  	v3 =	vadd.s32 v1, v3  }
0x98: {  	[tilespmem:s23], [sflag:$0x1] =	stream.indirect_vreg.gather [hbm4b:s3+s2], $0x80, v4, vm0, $0xb8;
	[tilespmem:$0xD900] =	vst v63  }
0x99: {  	_ = 	snop  }
0x9a: {  	[tilespmem:s24], [sflag:$0x1] =	stream.indirect_vreg.gather [hbm4b:s4+s2], $0x80, v4, vm1, $0xb8;
	[tilespmem:$0xD900] =	vst v63  }
0x9b: {  	_ = 	snop  }
0x9c: {  	[tilespmem:s25], [sflag:$0x1] =	stream.indirect_vreg.gather [hbm4b:s3+s2], $0x80, v3, vm0, $0xb8;
	[tilespmem:$0xD900] =	vst v63  }
0x9d: {  	_ = 	snop  }
0x9e: {  	[tilespmem:s26], [sflag:$0x1] =	stream.indirect_vreg.gather [hbm4b:s4+s2], $0x80, v3, vm1, $0xb8;
	[tilespmem:$0xD900] =	vst v63  }
0x9f: {  	v3 =	vld [tilespmem:$0x80];
	_ =	sdelay $0x4  }
0xa0: {  	v63 =	vshrl.u32 v3, $0x3  }
0xa1: {  	v4 =	vmul.u32 $0x18, v63  }
0xa2: {  	v3 =	vand.u32 $0x7, v3  }
0xa3: {  	v3 =	vor.u32 v3, v4  }
0xa4: {  	v4 =	vperm.xlane v3, v0;
	_ =	sdelay $0x1  }
0xa5: {  	v4 =	vadd.s32 v1, v4;
	_ =	sdelay $0x1  }
0xa6: {  	v3 =	vperm.xlane v3, v2;
	_ =	sdelay $0x1  }
0xa7: {  	v3 =	vadd.s32 v1, v3  }
0xa8: {  	[tilespmem:s28], [sflag:$0x1] =	stream.indirect_vreg.gather [hbm4b:s3+s2], $0x80, v4, vm0, $0xb8;
	[tilespmem:$0xD900] =	vst v63  }
0xa9: {  	_ = 	snop  }
0xaa: {  	[tilespmem:s29], [sflag:$0x1] =	stream.indirect_vreg.gather [hbm4b:s4+s2], $0x80, v4, vm1, $0xb8;
	[tilespmem:$0xD900] =	vst v63  }
0xab: {  	_ = 	snop  }
0xac: {  	[tilespmem:s30], [sflag:$0x1] =	stream.indirect_vreg.gather [hbm4b:s3+s2], $0x80, v3, vm0, $0xb8;
	[tilespmem:$0xD900] =	vst v63  }
0xad: {  	_ = 	snop  }
0xae: {  	[tilespmem:s31], [sflag:$0x1] =	stream.indirect_vreg.gather [hbm4b:s4+s2], $0x80, v3, vm1, $0xb8;
	[tilespmem:$0xD900] =	vst v63  }
0xaf: {  	_ =	swait.ge [sflag:s1], $0x4800  }
0xb0: {  	[sflag:s1] =	ssyncset.done $0x0  }
0xb1: {  	[sflag:s1] =	ssyncadd.s32 $0xFFFFB800  }
0xb2: {  	_ =	swait.ge [sflag:s1], $0x4800  }
0xb3: {  	[sflag:s1] =	ssyncset.done $0x0  }
0xb4: {  	[sflag:s1] =	ssyncadd.s32 $0xFFFFB800  }
0xb5: {  	_ =	swait.ge [sflag:s1], $0x4800  }
0xb6: {  	p0 =	sne.s32 s5, $0x1;
	[sflag:s1] =	ssyncset.done $0x0  }
.Ltmp0:
0xb7: {  	s8 =	rddreg [dreg:$0x5];
	[sflag:s1] =	ssyncadd.s32 $0xFFFFB800;
	(pc) =	sbr.rel @p0 .LBB2_1-.Ltmp0, $4  }
0xb8: {  	[hbm4b:s8+s2] =	stream.linear.scatter [tilespmem:s7], [sflag:$0x2], $0xD800, $0x38;
	[tilespmem:$0xD900] =	vst v63  }
0xb9: {  	_ =	swait.ge [sflag:s6], $0xD800  }
0xba: {  	[sflag:s6] =	ssyncset.done $0x0  }
0xbb: {  	s5 =	sadd.s32 $0xFFFFFFFF, s5;
	[sflag:s6] =	ssyncadd.s32 $0xFFFF2800  }
0xbc: {  	_ =	sfence.sel $0x180000  }
0xbd: {  	[bflag:$0x0] =	sbarrier.arrive $0xFFFF  }
0xbe: {  	_ =	strace $0x90000047  }
0xbf: {  	s0 =	stileid.u32;
	[bflag:$0x2] =	sbarrier.arrive $0xFFFF  }
0xc0: {  	p0 =	sne.s32 s0, $0x0;
	s0 =	rddreg [dreg:$0x3]  }
0xc1: {  	s0 =	sadd.s32 @!p0 $0x100000, s0  }
0xc2: {  	[sflag:s0] =	ssyncadd.tile.s32 @!p0 $0x1;
	_ =	shalt  }
.Lfunc_end2:
_tile_overlayer_lowered:
.L_overlay_start_2:
0xc3: {  	(tag) =	ssettag $0x2  }
0xc4: {  	s0 =	rddreg [dreg:$0x0];
	s2 =	stileid.u32  }
0xc5: {  	s1 =	rddreg [dreg:$0x1];
	p0 =	sne.s32 s2, $0x0  }
0xc6: {  	s3 =	rddreg [dreg:$0x2];
	[bflag:$0x3] =	sbarrier.arrive $0xFFFF;
	s2 =	simm.s32 @!p0 $0x1C02  }
0xc7: {  	[timem:s3], [sflag:s2] =	dma.local @!p0 [hbm:s0], s1  }
0xc8: {  	s0 =	simm.s32 @!p0 $0x2  }
0xc9: {  	_ =	swait.ge @!p0 [sflag:s0], s1  }
0xca: {  	s1 =	ssub.s32 @!p0 $0x0, s1;
	[sflag:s0] =	ssyncset.done @!p0 $0x0  }
0xcb: {  	[sflag:s0] =	ssyncadd.s32 @!p0 s1  }
0xcc: {  	[bflag:$0x3] =	sbarrier.arrive $0xFFFF  }
0xcd: {  	_ =	shalt  }

</sc_bundles>
